<compile_context>
chip_gen: v7x
topology: tpu7x:2x2x1
jax: 0.10.2.dev20260603
libtpu: 0.0.44.dev20260713+nightly
codegen_flags: <defaults>
</compile_context>

<pallas_src>
import functools
import math
import random

import numpy as np
import jax
import jax.numpy as jnp
from jax import lax
from jax.experimental import pallas as pl
from jax.experimental.pallas import tpu as pltpu
from jax.experimental.pallas import tpu_sc as plsc

B, S, D = 4, 4096, 1024
R = B * S

NC, NS = 2, 16
NW = NC * NS
RPW = R // NW
CH = 16
NCH = RPW // CH
NBUF = 6


def _static_plan():
    np.random.seed(0)
    random.seed(0)
    alpha = 1.0
    num_seg = 3

    x_len = S
    token_len = math.ceil(x_len / (num_seg - 1))
    sx = int(np.random.randint(int(token_len / 4), int(token_len * 3 / 4)))
    seq_src = []
    for ii in random.sample(range(num_seg), num_seg):
        b1 = int(np.clip(sx + token_len * (ii - 1), 0, x_len))
        b2 = int(np.clip(sx + token_len * ii, 0, x_len))
        seq_src.append(np.arange(b1, b2))
    seq_src = np.concatenate(seq_src)

    lam = float(np.random.beta(alpha, alpha))
    index = np.random.permutation(B)
    cut_len = int(x_len * (1.0 - lam))
    cx = int(np.random.randint(x_len))
    bbx1 = int(np.clip(cx - cut_len // 2, 0, x_len))
    bbx2 = int(np.clip(cx + cut_len // 2, 0, x_len))
    lam_out = 1.0 - (bbx2 - bbx1) / x_len

    src = np.empty((B, S), np.int32)
    for b in range(B):
        src[b, :] = b * S + seq_src
        src[b, bbx1:bbx2] = index[b] * S + seq_src[bbx1:bbx2]
    return src.reshape(-1), np.float32(lam_out), index


_SRC_ROWS, _LAM, _INDEX = _static_plan()
_IDX_NP = np.ascontiguousarray(_SRC_ROWS.reshape(NW, NCH, CH))

@functools.lru_cache(maxsize=None)
def _build_gather():
    mesh = plsc.VectorSubcoreMesh(
        core_axis_name="c", subcore_axis_name="s",
        num_cores=NC, num_subcores=NS)

    @functools.partial(
        pl.kernel,
        out_type=jax.ShapeDtypeStruct((R, D), jnp.float32),
        mesh=mesh,
        scratch_types=(
            [pltpu.VMEM((NCH, CH), jnp.int32)]
            + [pltpu.VMEM((CH, D), jnp.float32) for _ in range(NBUF)]
            + [pltpu.SemaphoreType.DMA for _ in range(2 * NBUF)]
        ),
    )
    def _gather_rows(x_hbm, idx_hbm, out_hbm, idx_v, *scratch):
        bufs = scratch[:NBUF]
        gsems = scratch[NBUF:2 * NBUF]
        ssems = scratch[2 * NBUF:]
        wid = lax.axis_index("s") * NC + lax.axis_index("c")
        base = wid * RPW
        pltpu.sync_copy(idx_hbm.at[wid], idx_v)

        def gather(c):
            k = c % NBUF
            if c > 0:
                return None
            return pltpu.async_copy(x_hbm.at[idx_v.at[c]], bufs[k], gsems[k])

        def scatter(c):
            k = c % NBUF
            if c > 0:
                return None
            return pltpu.async_copy(
                bufs[k], out_hbm.at[pl.ds(base + c * CH, CH)], ssems[k])

        h = gather(0)
        h.wait()
        hs = scatter(0)
        hs.wait()

    return _gather_rows


def kernel(x):
    out2d = _build_gather()(x.reshape(R, D), jnp.asarray(_IDX_NP))
    mixed_x = out2d.reshape(B, S, D)
    lam = jnp.float32(_LAM)
    index = jnp.asarray(_INDEX, dtype=jnp.int64)
    return (mixed_x, lam, index)

# --- scband reference (transcript-rebuilt; emitter-appended) ---
"""Pipeline reference for scband-shuffle-mix-28286654611832 (READ-ONLY COPY).

The authoritative reference and input builder live on the scoring server;
editing this copy changes nothing except your own understanding.
"""

import jax, jax.numpy as jnp
import numpy as np
import math, random


def setup_inputs(seed: int = 0) -> dict:
    key = jax.random.key(seed)
    x = jax.random.normal(key, (4, 4096, 1024), dtype=jnp.float32)
    return {"x": x}


def reference(x):
    # Deterministic translation of ShuffleMix(alpha=1.0, num_seg=3, shuff='True', MixOrCut='CutMix')
    # torch/np/random RNG draws replaced by seeded numpy/random draws.
    np.random.seed(0)
    random.seed(0)
    alpha = 1.0
    num_seg = 3

    # ---- Shuffle(x, num_seg) ----
    x_len = x.shape[1]
    token_len = math.ceil(x_len / (num_seg - 1))
    sx = int(np.random.randint(int(token_len / 4), int(token_len * 3 / 4)))
    segs = []
    for ii in random.sample(range(num_seg), num_seg):
        bbx1 = int(np.clip(sx + token_len * (ii - 1), 0, x_len))
        bbx2 = int(np.clip(sx + token_len * ii, 0, x_len))
        segs.append(x[:, bbx1:bbx2])
    x = jnp.concatenate(segs, axis=1)

    # ---- CutMix(x, alpha) ----
    lam = float(np.random.beta(alpha, alpha))
    index = jnp.asarray(np.random.permutation(x.shape[0]), dtype=jnp.int64)
    length = x.shape[1]
    cut_rat = 1.0 - lam
    cut_len = int(length * cut_rat)
    cx = int(np.random.randint(length))
    bbx1 = int(np.clip(cx - cut_len // 2, 0, length))
    bbx2 = int(np.clip(cx + cut_len // 2, 0, length))
    mixed_x = x.at[:, bbx1:bbx2].set(x[index, bbx1:bbx2])
    lam = 1.0 - (bbx2 - bbx1) / length
    return (mixed_x, jnp.float32(lam), index)

if __name__ == "__main__":
    import jax
    _d = setup_inputs()
    print(jax.jit(kernel)(*tuple(_d.values())))

</pallas_src>

<mosaic_0001>
#map = affine_map<(d0, d1) -> (0, 0)>
#map1 = affine_map<(d0, d1) -> (0, 0, 0)>
module attributes {stable_mosaic.version = 14 : i64} {
  func.func @_gather_rows(%arg0: i32, %arg1: i32, %arg2: memref<16384x1024xf32, #tpu.memory_space<hbm>>, %arg3: memref<32x32x16xi32, #tpu.memory_space<hbm>>, %arg4: memref<16384x1024xf32, #tpu.memory_space<hbm>>, %arg5: memref<32x16xi32, #tpu.memory_space<vmem>>, %arg6: memref<16x1024xf32, #tpu.memory_space<vmem>>, %arg7: memref<16x1024xf32, #tpu.memory_space<vmem>>, %arg8: memref<16x1024xf32, #tpu.memory_space<vmem>>, %arg9: memref<16x1024xf32, #tpu.memory_space<vmem>>, %arg10: memref<16x1024xf32, #tpu.memory_space<vmem>>, %arg11: memref<16x1024xf32, #tpu.memory_space<vmem>>, %arg12: memref<!tpu.dma_semaphore, #tpu.memory_space<semaphore_mem>>, %arg13: memref<!tpu.dma_semaphore, #tpu.memory_space<semaphore_mem>>, %arg14: memref<!tpu.dma_semaphore, #tpu.memory_space<semaphore_mem>>, %arg15: memref<!tpu.dma_semaphore, #tpu.memory_space<semaphore_mem>>, %arg16: memref<!tpu.dma_semaphore, #tpu.memory_space<semaphore_mem>>, %arg17: memref<!tpu.dma_semaphore, #tpu.memory_space<semaphore_mem>>, %arg18: memref<!tpu.dma_semaphore, #tpu.memory_space<semaphore_mem>>, %arg19: memref<!tpu.dma_semaphore, #tpu.memory_space<semaphore_mem>>, %arg20: memref<!tpu.dma_semaphore, #tpu.memory_space<semaphore_mem>>, %arg21: memref<!tpu.dma_semaphore, #tpu.memory_space<semaphore_mem>>, %arg22: memref<!tpu.dma_semaphore, #tpu.memory_space<semaphore_mem>>, %arg23: memref<!tpu.dma_semaphore, #tpu.memory_space<semaphore_mem>>) attributes {dimension_semantics = [#tpu.dimension_semantics<core_parallel>, #tpu.dimension_semantics<subcore_parallel>], iteration_bounds = array<i64: 2, 16>, scalar_prefetch = 0 : i64, scratch_operands = 19 : i64, tpu.core_type = #tpu.core_type<sc_vector_subcore>, window_params = [{transform_indices = #map}, {transform_indices = #map1}, {transform_indices = #map}]} {
    %mul3A = arith.constant 2 : i32
    %mul3A_0 = arith.muli %arg1, %mul3A : i32
    %add3A = arith.addi %mul3A_0, %arg0 : i32
    %mul3A_1 = arith.constant 512 : i32
    %mul3A_2 = arith.muli %add3A, %mul3A_1 : i32
    "tpu.region"() ({
      %run_scoped3A = tpu.sem_alloc : memref<!tpu.dma_semaphore, #tpu.memory_space<semaphore_mem>>
      %dma_start3A_25 = arith.constant 0 : i32
      %dma_start3A_26 = arith.constant 0 : i32
      %dma_start3A_27 = tpu.memref_slice %arg3[%add3A, %dma_start3A_25, %dma_start3A_26] : memref<32x32x16xi32, #tpu.memory_space<hbm>> -> memref<1x32x16xi32, #tpu.memory_space<hbm>>
      %dma_start3A_28 = tpu.memref_squeeze %dma_start3A_27 : memref<1x32x16xi32, #tpu.memory_space<hbm>> -> memref<32x16xi32, #tpu.memory_space<hbm>>
      %dma_start3A_29 = arith.constant 0 : i32
      %dma_start3A_30 = arith.constant 0 : i32
      %dma_start3A_31 = tpu.memref_slice %arg3[%add3A, %dma_start3A_29, %dma_start3A_30] : memref<32x32x16xi32, #tpu.memory_space<hbm>> -> memref<1x32x16xi32, #tpu.memory_space<hbm>>
      %dma_start3A_32 = tpu.memref_squeeze %dma_start3A_31 : memref<1x32x16xi32, #tpu.memory_space<hbm>> -> memref<32x16xi32, #tpu.memory_space<hbm>>
      tpu.enqueue_dma source(%dma_start3A_32 : memref<32x16xi32, #tpu.memory_space<hbm>>) target(%arg5 : memref<32x16xi32, #tpu.memory_space<vmem>>) target_semaphore(%run_scoped3A : memref<!tpu.dma_semaphore, #tpu.memory_space<semaphore_mem>>)
      %dma_wait3A_33 = arith.constant 0 : i32
      %dma_wait3A_34 = arith.constant 0 : i32
      %dma_wait3A_35 = tpu.memref_slice %arg3[%add3A, %dma_wait3A_33, %dma_wait3A_34] : memref<32x32x16xi32, #tpu.memory_space<hbm>> -> memref<1x32x16xi32, #tpu.memory_space<hbm>>
      %dma_wait3A_36 = tpu.memref_squeeze %dma_wait3A_35 : memref<1x32x16xi32, #tpu.memory_space<hbm>> -> memref<32x16xi32, #tpu.memory_space<hbm>>
      %dma_wait3A_37 = arith.constant 0 : i32
      %dma_wait3A_38 = arith.constant 0 : i32
      %dma_wait3A_39 = tpu.memref_slice %arg3[%add3A, %dma_wait3A_37, %dma_wait3A_38] : memref<32x32x16xi32, #tpu.memory_space<hbm>> -> memref<1x32x16xi32, #tpu.memory_space<hbm>>
      %dma_wait3A_40 = tpu.memref_squeeze %dma_wait3A_39 : memref<1x32x16xi32, #tpu.memory_space<hbm>> -> memref<32x16xi32, #tpu.memory_space<hbm>>
      tpu.wait_dma2 semaphore(%run_scoped3A : memref<!tpu.dma_semaphore, #tpu.memory_space<semaphore_mem>>) src(%dma_wait3A_40 : memref<32x16xi32, #tpu.memory_space<hbm>>) dst(%arg5 : memref<32x16xi32, #tpu.memory_space<vmem>>)
      tpu.yield
    }) : () -> ()
    %dma_start3A = arith.constant 0 : i32
    %dma_start3A_3 = arith.constant 0 : i32
    %dma_start3A_4 = tpu.memref_slice %arg5[%dma_start3A, %dma_start3A_3] : memref<32x16xi32, #tpu.memory_space<vmem>> -> memref<1x16xi32, #tpu.memory_space<vmem>>
    %dma_start3A_5 = tpu.memref_squeeze %dma_start3A_4 : memref<1x16xi32, #tpu.memory_space<vmem>> -> memref<16xi32, #tpu.memory_space<vmem>>
    %dma_start3A_6 = arith.constant 0 : i32
    %dma_start3A_7 = arith.constant 0 : i32
    %dma_start3A_8 = tpu.memref_slice %arg2[%dma_start3A_6, %dma_start3A_7] : memref<16384x1024xf32, #tpu.memory_space<hbm>> -> memref<16384x1024xf32, #tpu.memory_space<hbm>>
    tpu.enqueue_indirect_dma source(%dma_start3A_8 : memref<16384x1024xf32, #tpu.memory_space<hbm>>) target(%arg6 : memref<16x1024xf32, #tpu.memory_space<vmem>>) offsets(%dma_start3A_5 : memref<16xi32, #tpu.memory_space<vmem>>) semaphore(%arg12 : memref<!tpu.dma_semaphore, #tpu.memory_space<semaphore_mem>>)
    %dma_wait3A = arith.constant 0 : i32
    %dma_wait3A_9 = arith.constant 0 : i32
    %dma_wait3A_10 = tpu.memref_slice %arg5[%dma_wait3A, %dma_wait3A_9] : memref<32x16xi32, #tpu.memory_space<vmem>> -> memref<1x16xi32, #tpu.memory_space<vmem>>
    %dma_wait3A_11 = tpu.memref_squeeze %dma_wait3A_10 : memref<1x16xi32, #tpu.memory_space<vmem>> -> memref<16xi32, #tpu.memory_space<vmem>>
    %dma_wait3A_12 = arith.constant 0 : i32
    %dma_wait3A_13 = arith.constant 0 : i32
    %dma_wait3A_14 = tpu.memref_slice %arg2[%dma_wait3A_12, %dma_wait3A_13] : memref<16384x1024xf32, #tpu.memory_space<hbm>> -> memref<16384x1024xf32, #tpu.memory_space<hbm>>
    tpu.wait_indirect_dma semaphore(%arg12 : memref<!tpu.dma_semaphore, #tpu.memory_space<semaphore_mem>>) src(%dma_wait3A_14 : memref<16384x1024xf32, #tpu.memory_space<hbm>>) dst(%arg6 : memref<16x1024xf32, #tpu.memory_space<vmem>>)
    %add3A_15 = arith.constant 0 : i32
    %add3A_16 = arith.addi %mul3A_2, %add3A_15 : i32
    %dma_start3A_17 = arith.constant 0 : i32
    %dma_start3A_18 = tpu.memref_slice %arg4[%add3A_16, %dma_start3A_17] : memref<16384x1024xf32, #tpu.memory_space<hbm>> -> memref<16x1024xf32, #tpu.memory_space<hbm>>
    %dma_start3A_19 = arith.constant 0 : i32
    %dma_start3A_20 = tpu.memref_slice %arg4[%add3A_16, %dma_start3A_19] : memref<16384x1024xf32, #tpu.memory_space<hbm>> -> memref<16x1024xf32, #tpu.memory_space<hbm>>
    tpu.enqueue_dma source(%arg6 : memref<16x1024xf32, #tpu.memory_space<vmem>>) target(%dma_start3A_20 : memref<16x1024xf32, #tpu.memory_space<hbm>>) target_semaphore(%arg18 : memref<!tpu.dma_semaphore, #tpu.memory_space<semaphore_mem>>)
    %dma_wait3A_21 = arith.constant 0 : i32
    %dma_wait3A_22 = tpu.memref_slice %arg4[%add3A_16, %dma_wait3A_21] : memref<16384x1024xf32, #tpu.memory_space<hbm>> -> memref<16x1024xf32, #tpu.memory_space<hbm>>
    %dma_wait3A_23 = arith.constant 0 : i32
    %dma_wait3A_24 = tpu.memref_slice %arg4[%add3A_16, %dma_wait3A_23] : memref<16384x1024xf32, #tpu.memory_space<hbm>> -> memref<16x1024xf32, #tpu.memory_space<hbm>>
    tpu.wait_dma2 semaphore(%arg18 : memref<!tpu.dma_semaphore, #tpu.memory_space<semaphore_mem>>) src(%arg6 : memref<16x1024xf32, #tpu.memory_space<vmem>>) dst(%dma_wait3A_24 : memref<16x1024xf32, #tpu.memory_space<hbm>>)
    return
  }
}

</mosaic_0001>

<sc_bundles>
// kernel: kernel.3.cloned.1.call-start
scs
__scs_entry_jumppad:
0x0: {  	(pc) =	sbr.rel $0x88, $3  }
0x1: {  	(tag) =	ssettag $0x0;
	lr =	simm.s32 $0x1  }
0x2: {  	[smem:$0x3FA0] =	sst lr;
	_ =	strace $0xD0000000  }
0x3: {  	_ = 	snop  }
0x4: {  	_ = 	snop  }
0x5: {  	_ = 	snop  }
0x6: {  	_ = 	snop  }
0x7: {  	_ = 	snop  }
__scs_overlays_trampoline_lowered:
0x8: {  	[smem:$0x3FAF] =	sst s0  }
0x9: {  	[smem:$0x3FB0] =	sst s1  }
0xa: {  	[smem:$0x3FB1] =	sst s2  }
0xb: {  	[smem:$0x3FB2] =	sst s3  }
0xc: {  	[smem:$0x3FB3] =	sst s4  }
0xd: {  	[smem:$0x3FB4] =	sst s5  }
0xe: {  	[smem:$0x3FB5] =	sst s6  }
0xf: {  	[smem:$0x3FB6] =	sst s7  }
0x10: {  	[smem:$0x3FB7] =	sst s8  }
0x11: {  	[smem:$0x3FB8] =	sst s9;
	s0 =	simm.s32 @!p0 $0x0  }
0x12: {  	s1 =	sld [smem:$0x3F9E];
	s0 =	simm.s32 @p0 $0x1  }
0x13: {  	[smem:$0x3FB9] =	sst s0;
	s0 =	simm.s32 @!p1 $0x0  }
0x14: {  	s2 =	sld [smem:$0x3F9D];
	s0 =	simm.s32 @p1 $0x1  }
0x15: {  	[smem:$0x3FBA] =	sst s0;
	s0 =	simm.s32 @!p2 $0x0  }
0x16: {  	s3 =	sld [smem:$0x3FDB];
	s0 =	simm.s32 @p2 $0x1  }
0x17: {  	s4 =	simm.s32 $0x1BF5;
	[smem:$0x3FBC] =	sst s0  }
0x18: {  	s0 =	sld [smem:$0x3F9F];
	_ =	swait.ge [sflag:s4], $0x0  }
0x19: {  	s7 =	sld [smem:$0x3FA0]  }
0x1a: {  	s8 =	sadd.s32 $0xFFFFE003, lr  }
0x1b: {  	s9 =	sadd.s32 $0xFFFFFEF7, lr;
	s5 =	simm.s32 $0xFFFFFFFF;
	p2 =	slt.u32 s8, $0xFFFFF086  }
0x1c: {  	p1 =	slt.u32 s9, $0xF7A;
	s5 =	simm.s32 @!p2 $0x0  }
0x1d: {  	s5 =	simm.s32 @p1 $0x1;
	p0 =	seq.s32 s7, s2  }
0x1e: {  	s7 =	smul.u32 @!p0 $0xF7A, s2;
	p2 =	seq.s32 @!p0 s5, $0x0  }
0x1f: {  	s9 =	smul.u32 $0xF7A, s1;
	s8 =	simm.s32 @!p0 $0x1BF5;
	p2 =	por !p2, p0  }
0x20: {  	[sflag:s8] =	ssyncset.s32 @!p0 $0xFFFFF086;
	s6 =	sadd.s32 @!p0 s3, s7;
	s7 =	simm.s32 @!p0 $0x108  }
0x21: {  	s3 =	sadd.s32 s3, s9;
	s6 =	sadd.s32 @!p0 $0x88, s6;
	s7 =	simm.s32 @p2 $0x1082  }
0x22: {  	[simem:s7], [sflag:s8] =	dma.local @!p0 [hbm:s6], $0xF7A  }
0x23: {  	s9 =	sor.u32 $0xD0000000, s2;
	s6 =	simm.s32 $0x108;
	_ =	swait.ge @!p0 [sflag:s8], $0x0  }
0x24: {  	s3 =	sadd.s32 $0x88, s3;
	s6 =	simm.s32 @!p1 $0x1082;
	[sflag:s4] =	ssyncset.s32 $0xFFFFF086  }
0x25: {  	[simem:s6], [sflag:s4] =	dma.local [hbm:s3], $0xF7A  }
0x26: {  	[smem:$0x3FA0] =	sst s1;
	(tag) =	ssettag s2;
	_ =	strace s9  }
0x27: {  	s1 =	sld [smem:$0x3FB0]  }
0x28: {  	s2 =	sld [smem:$0x3FB1]  }
0x29: {  	s4 =	sld [smem:$0x3FB3]  }
0x2a: {  	p0 =	seq.s32 s5, $0x0;
	s5 =	sld [smem:$0x3FB4]  }
0x2b: {  	s6 =	sld [smem:$0x3FB5]  }
0x2c: {  	s7 =	sld [smem:$0x3FB6]  }
0x2d: {  	s3 =	simm.s32 $0x108;
	s8 =	sld [smem:$0x3FB7]  }
0x2e: {  	s3 =	simm.s32 @!p0 $0x1082;
	s9 =	sld [smem:$0x3FB8]  }
0x2f: {  	lr =	sadd.s32 s0, s3;
	s0 =	sld [smem:$0x3FAF]  }
0x30: {  	s3 =	sld [smem:$0x3FB2]  }
0x31: {  	[smem:$0x3FBB] =	sst s10  }
0x32: {  	s10 =	sld [smem:$0x3FB9];
	_ =	sdelay $0x3  }
0x33: {  	p0 =	seq.s32 s10, $0x1;
	s10 =	sld [smem:$0x3FBB];
	_ =	sdelay $0x3  }
0x34: {  	[smem:$0x3FBB] =	sst s10  }
0x35: {  	s10 =	sld [smem:$0x3FBA];
	_ =	sdelay $0x3  }
0x36: {  	p1 =	seq.s32 s10, $0x1;
	s10 =	sld [smem:$0x3FBB];
	_ =	sdelay $0x3  }
0x37: {  	[smem:$0x3FBB] =	sst s10  }
0x38: {  	s10 =	sld [smem:$0x3FBC]  }
0x39: {  	_ = 	snop;
	(pc) =	sbr.ind lr, $3  }
0x3a: {  	_ = 	snop  }
0x3b: {  	_ = 	snop  }
0x3c: {  	p2 =	seq.s32 s10, $0x1;
	s10 =	sld [smem:$0x3FBB]  }
0x3d: {  	_ =	shalt  }
0x3e: {  	_ =	shalt  }
0x3f: {  	_ =	shalt  }
0x40: {  	_ =	shalt  }
0x41: {  	_ =	shalt  }
0x42: {  	_ =	shalt  }
0x43: {  	_ =	shalt  }
0x44: {  	_ =	shalt  }
0x45: {  	_ =	shalt  }
0x46: {  	_ =	shalt  }
0x47: {  	_ =	shalt  }
0x48: {  	_ =	shalt  }
0x49: {  	_ =	shalt  }
0x4a: {  	_ =	shalt  }
0x4b: {  	_ =	shalt  }
0x4c: {  	_ =	shalt  }
0x4d: {  	_ =	shalt  }
0x4e: {  	_ =	shalt  }
0x4f: {  	_ =	shalt  }
0x50: {  	_ =	shalt  }
0x51: {  	_ =	shalt  }
0x52: {  	_ =	shalt  }
0x53: {  	_ =	shalt  }
0x54: {  	_ =	shalt  }
0x55: {  	_ =	shalt  }
0x56: {  	_ =	shalt  }
0x57: {  	_ =	shalt  }
0x58: {  	_ =	shalt  }
0x59: {  	_ =	shalt  }
0x5a: {  	_ =	shalt  }
0x5b: {  	_ =	shalt  }
0x5c: {  	_ =	shalt  }
0x5d: {  	_ =	shalt  }
0x5e: {  	_ =	shalt  }
0x5f: {  	_ =	shalt  }
0x60: {  	_ =	shalt  }
0x61: {  	_ =	shalt  }
0x62: {  	_ =	shalt  }
0x63: {  	_ =	shalt  }
0x64: {  	_ =	shalt  }
0x65: {  	_ =	shalt  }
0x66: {  	_ =	shalt  }
0x67: {  	_ =	shalt  }
0x68: {  	_ =	shalt  }
0x69: {  	_ =	shalt  }
0x6a: {  	_ =	shalt  }
0x6b: {  	_ =	shalt  }
0x6c: {  	_ =	shalt  }
0x6d: {  	_ =	shalt  }
0x6e: {  	_ =	shalt  }
0x6f: {  	_ =	shalt  }
0x70: {  	_ =	shalt  }
0x71: {  	_ =	shalt  }
0x72: {  	_ =	shalt  }
0x73: {  	_ =	shalt  }
0x74: {  	_ =	shalt  }
0x75: {  	_ =	shalt  }
0x76: {  	_ =	shalt  }
0x77: {  	_ =	shalt  }
0x78: {  	_ =	shalt  }
0x79: {  	_ =	shalt  }
0x7a: {  	_ =	shalt  }
0x7b: {  	_ =	shalt  }
0x7c: {  	_ =	shalt  }
0x7d: {  	_ =	shalt  }
0x7e: {  	_ =	shalt  }
0x7f: {  	_ =	shalt  }
0x80: {  	_ =	shalt  }
0x81: {  	_ =	shalt  }
0x82: {  	_ =	shalt  }
0x83: {  	_ =	shalt  }
0x84: {  	_ =	shalt  }
0x85: {  	_ =	shalt  }
0x86: {  	_ =	shalt  }
0x87: {  	_ =	shalt  }
.Lfunc_end0:
.L_simem_size_0:
called_computation_lowered:
.L_overlay_start_0:
0x88: {  	s2 =	sld [smem:$0x3FD9]  }
0x89: {  	s3 =	sld [smem:$0x3FFE];
	_ =	sdelay $0x1  }
0x8a: {  	s1 =	srdreg.scid  }
0x8b: {  	s0 =	sand.u32 $0x1, s1  }
0x8c: {  	s14 =	sshll.u32 s0, $0xA;
	s2 =	sadd.s32 s3, s2  }
0x8d: {  	s2 =	sadd.s32 s2, s14  }
0x8e: {  	[smem:$0x3FC7] =	sst s2  }
0x8f: {  	_ = 	snop  }
0x90: {  	s2 =	sld [smem:$0x3FD0];
	_ =	sdelay $0x2  }
0x91: {  	s4 =	simm.s32 $0xA;
	s5 =	simm.s32 $0x10;
	s15 =	sld [smem:$0x3FC9]  }
0x92: {  	[smem:s5], [sflag:s4] =	dma.local [hbm:s2], $0x1  }
0x93: {  	_ =	swait.eq [sflag:s4], $0x1  }
0x94: {  	[sflag:s4] =	ssyncset.done $0x0  }
0x95: {  	[sflag:s4] =	ssyncadd.s32 $0xFFFFFFFF  }
0x96: {  	s16 =	sld [smem:$0x10];
	(tm) =	ssettm $0x1  }
0x97: {  	s17 =	sld [smem:$0x3FFB];
	_ =	sdelay $0x3  }
0x98: {  	_ =	strace s17  }
0x99: {  	s4 =	sld [smem:$0x3FFC];
	_ =	sdelay $0x3  }
0x9a: {  	_ =	strace s4  }
0x9b: {  	s4 =	sld [smem:$0x3FFD];
	_ =	sdelay $0x3  }
0x9c: {  	_ =	strace s4  }
0x9d: {  	_ =	strace $0x8FFFFFFF  }
0x9e: {  	s18 =	sld [smem:$0x3FDB];
	_ =	sdelay $0x1  }
0x9f: {  	s19 =	simm.s32 $_scs_section_size  }
0xa0: {  	s6 =	simm.s32 $_size__tile_overlayer_lowered;
	s7 =	simm.s32 $_tile_overlayer_lowered  }
0xa1: {  	s22 =	simm.s32 $0x1BFF;
	s21 =	sshll.u32 s7, $0x1;
	s4 =	sadd.s32 s19, s18  }
0xa2: {  	s8 =	simm.s32 $0x0;
	s20 =	sshll.u32 s6, $0x1;
	s6 =	sadd.s32 s21, s4  }
0xa3: {  	[timem:s8], [sflag:s22] =	dma.local [hbm:s6], s20  }
0xa4: {  	_ =	swait.ge [sflag:s22], s20  }
0xa5: {  	s5 =	ssub.s32 $0x0, s20;
	[sflag:s22] =	ssyncset.done $0x0  }
0xa6: {  	[sflag:s22] =	ssyncadd.s32 s5;
	_ =	sdelay $0x1  }
0xa7: {  	s23 =	simm.s32 $0x1B8B  }
0xa8: {  	_ =	swait.ge [sflag:s23], $0x1  }
0xa9: {  	[sflag:s23] =	ssyncset.done $0x0  }
0xaa: {  	s25 =	simm.s32 $0x1B8E;
	s24 =	sld [smem:$0x3FFE];
	[sflag:s23] =	ssyncadd.s32 $0xFFFFFFFF  }
0xab: {  	s26 =	simm.s32 $execute0_lowered;
	[smem:$0x3FD2] =	sst s25  }
0xac: {  	s6 =	sshll.u32 s26, $0x1;
	_ =	strace $0x80000046;
	[dreg:$0x1] =	wrdreg $0xFFFFFFFF  }
0xad: {  	s28 =	simm.s32 $_size_execute0_lowered;
	s4 =	sadd.s32 s4, s6;
	[dreg:$0x0] =	wrdreg $0x0  }
0xae: {  	s6 =	sshll.u32 s28, $0x1;
	[dreg:$0x2] =	wrdreg s4  }
0xaf: {  	[dreg:$0x3] =	wrdreg s6  }
0xb0: {  	[dreg:$0x4] =	wrdreg $0xC0  }
0xb1: {  	_ =	task [dreg:s8], $0x5FFFF  }
0xb2: {  	[dreg:$0x1] =	wrdreg $0xFFFFFFFF  }
0xb3: {  	[dreg:$0x0] =	wrdreg $0x60  }
0xb4: {  	[dreg:$0x2] =	wrdreg s15  }
0xb5: {  	[dreg:$0x3] =	wrdreg s24  }
0xb6: {  	[dreg:$0x4] =	wrdreg s16  }
0xb7: {  	[dreg:$0x5] =	wrdreg $0x9  }
0xb8: {  	_ =	task.clear_ibuf [dreg:s8], $0x6FFFF;
	_ =	strace $0x90000046  }
0xb9: {  	s29 =	simm.s32 $0x9;
	_ =	strace $0x80000048  }
0xba: {  	_ =	swait.ge [sflag:s29], $0x1  }
0xbb: {  	[sflag:s29] =	ssyncadd.s32 $0xFFFFFFFF  }
0xbc: {  	_ =	strace $0x90000048  }
0xbd: {  	_ =	sfence  }
0xbe: {  	s30 =	sld [smem:$0x0];
	_ =	sdelay $0x2  }
0xbf: {  	s31 =	sshll.u32 s1, $0xD;
	s1 =	sshrl.u32 s1, $0x2  }
0xc0: {  	s3 =	sand.u32 $0x4000, s31;
	s1 =	sadd.s32 s1, s30  }
0xc1: {  	s0 =	sor.u32 s3, s0;
	s1 =	sshll.u32 s1, $0x11  }
0xc2: {  	s0 =	sor.u32 s1, s0  }
0xc3: {  	s0 =	sadd.s32 $0x8F2B, s0  }
0xc4: {  	[sflag:s0] =	ssyncadd.remote.s32 $0x1  }
0xc5: {  	_ =	sfence.sel $0xFFFF  }
0xc6: {  	[dreg:$0x0] =	wrdreg $0xFFFFFFFF;
	(pc) =	sbr.abs _section_cstart, $3  }
0xc7: {  	[dreg:$0x1] =	wrdreg $0xFFFFFFFF  }
0xc8: {  	_ =	task.clear_ibuf [dreg:s8], $0x2FFFF;
	_ =	strace $0x9FFFFFFF  }
0xc9: {  	(tm) =	ssettm $0x7FFFFFFF  }
tec
execute0_lowered:
.L_overlay_start_1:
0x0: {  	(tag) =	ssettag $0x1  }
0x1: {  	s1 =	rddreg [dreg:$0x0]  }
0x2: {  	s2 =	srdreg.scid;
	s0 =	stileid.u32  }
0x3: {  	s4 =	rddreg [dreg:$0x1];
	s16 =	sand.u32 $0x1, s2;
	s31 =	sshll.u32 s0, $0x1  }
0x4: {  	s18 =	rddreg [dreg:$0x2];
	s19 =	sor.u32 s16, s31  }
0x5: {  	s3 =	simm.s32 $0x0;
	s2 =	rddreg [dreg:$0x3];
	s5 =	sshll.u32 s19, $0x9  }
0x6: {  	[smem:$0x7FF] =	sst s3;
	s4 =	sadd.s32 s5, s4  }
0x7: {  	_ =	strace $0x80000047;
	s5 =	simm.s32 $0x3;
	s4 =	sadd.s32 $0x600, s4  }
0x8: {  	[tilespmem:s3], [sflag:$0x3] =	stream.linear.gather [hbm4b:s4+s3], $0x1000, $0x38;
	[tilespmem:$0x5000] =	vst v63  }
0x9: {  	_ =	swait.ge [sflag:s5], $0x1000  }
0xa: {  	[sflag:s5] =	ssyncset.done $0x0  }
0xb: {  	[sflag:s5] =	ssyncadd.s32 $0xFFFFF000  }
0xc: {  	v0 =	vld [tilespmem:$0x0];
	_ =	sdelay $0x4  }
0xd: {  	v1 =	vshll.u32 v0, $0x3  }
0xe: {  	v2 =	vlaneseq.u32;
	v3 =	vand.u32 $0x7, v0;
	v1 =	vand.u32 $0xFFFFFFC0, v1  }
0xf: {  	v4 =	vshrl.u32 v2, $0x3;
	v0 =	vand.u32 $0x7, v2;
	v3 =	vor.u32 v3, v1  }
0x10: {  	v1 =	vmul.u32 $0x8, v4;
	v63 =	vperm.xlane v3, v0;
	_ =	sdelay $0x1  }
0x11: {  	v4 =	vadd.s32 v1, v63;
	_ =	sdelay $0x3  }
0x12: {  	vm0 =	vmmov $0xffff;
	s6 =	simm.s32 $0x1000  }
0x13: {  	v2 =	vor.u32 $0x8, v2;
	[tilespmem:s6], [sflag:$0x1] =	stream.indirect_vreg.gather [hbm4b:s1+s3], $0x80, v4, vm0, $0xb8;
	[tilespmem:$0x5000] =	vst v63  }
0x14: {  	s8 =	simm.s32 $0x1800;
	s7 =	sadd.s32 $0x100, s1;
	v3 =	vperm.xlane v3, v2  }
0x15: {  	[tilespmem:s8], [sflag:$0x1] =	stream.indirect_vreg.gather [hbm4b:s7+s3], $0x80, v4, vm0, $0xb8;
	[tilespmem:$0x5000] =	vst v63  }
0x16: {  	s10 =	simm.s32 $0x2000;
	s9 =	sadd.s32 $0x200, s1;
	v3 =	vadd.s32 v1, v3  }
0x17: {  	[tilespmem:s10], [sflag:$0x1] =	stream.indirect_vreg.gather [hbm4b:s9+s3], $0x80, v4, vm0, $0xb8;
	[tilespmem:$0x5000] =	vst v63  }
0x18: {  	s12 =	simm.s32 $0x2800;
	s11 =	sadd.s32 $0x300, s1  }
0x19: {  	[tilespmem:s12], [sflag:$0x1] =	stream.indirect_vreg.gather [hbm4b:s11+s3], $0x80, v4, vm0, $0xb8;
	[tilespmem:$0x5000] =	vst v63  }
0x1a: {  	s13 =	simm.s32 $0x3000;
	s20 =	ssub.s32 $0x2, s16  }
0x1b: {  	[tilespmem:s13], [sflag:$0x1] =	stream.indirect_vreg.gather [hbm4b:s1+s3], $0x80, v3, vm0, $0xb8;
	[tilespmem:$0x5000] =	vst v63  }
0x1c: {  	s14 =	simm.s32 $0x3800;
	s21 =	sshrl.u32 s20, $0x1  }
0x1d: {  	[tilespmem:s14], [sflag:$0x1] =	stream.indirect_vreg.gather [hbm4b:s7+s3], $0x80, v3, vm0, $0xb8;
	[tilespmem:$0x5000] =	vst v63  }
0x1e: {  	s15 =	simm.s32 $0x4000;
	s20 =	ssub.s32 s20, s21  }
0x1f: {  	[tilespmem:s15], [sflag:$0x1] =	stream.indirect_vreg.gather [hbm4b:s9+s3], $0x80, v3, vm0, $0xb8;
	[tilespmem:$0x5000] =	vst v63  }
0x20: {  	s17 =	simm.s32 $0x1;
	s16 =	simm.s32 $0x4800;
	s20 =	smax.u32 s20, $0x1  }
0x21: {  	[tilespmem:s16], [sflag:$0x1] =	stream.indirect_vreg.gather [hbm4b:s11+s3], $0x80, v3, vm0, $0xb8;
	[tilespmem:$0x5000] =	vst v63  }
0x22: {  	p0 =	sne.s32 s20, $0x1;
	_ =	swait.ge [sflag:s17], $0x4000  }
.Ltmp0:
0x23: {  	s19 =	sshll.u32 s19, $0x10;
	[sflag:s17] =	ssyncset.done $0x0;
	(pc) =	sbr.rel @!p0 .LBB2_2-.Ltmp0, $4  }
0x24: {  	s18 =	sadd.s32 s18, s19;
	s19 =	simm.s32 $0x2;
	[sflag:s17] =	ssyncadd.s32 $0xFFFFC000  }
0x25: {  	[hbm4b:s18+s3] =	stream.linear.scatter [tilespmem:s6], [sflag:$0x2], $0x4000, $0x38;
	[tilespmem:$0x5000] =	vst v63  }
0x26: {  	_ =	swait.ge [sflag:s19], $0x4000  }
0x27: {  	s20 =	sadd.s32 $0xFFFFFFFF, s20;
	[sflag:s19] =	ssyncset.done $0x0  }
.LBB2_1:
0x28: {  	p0 =	sne.s32 s20, $0x1;
	s20 =	sadd.s32 $0xFFFFFFFF, s20;
	[sflag:s19] =	ssyncadd.s32 $0xFFFFC000  }
0x29: {  	[tilespmem:s3], [sflag:$0x3] =	stream.linear.gather [hbm4b:s4+s3], $0x1000, $0x38;
	[tilespmem:$0x5000] =	vst v63  }
0x2a: {  	_ =	swait.ge [sflag:s5], $0x1000  }
0x2b: {  	[sflag:s5] =	ssyncset.done $0x0  }
0x2c: {  	[sflag:s5] =	ssyncadd.s32 $0xFFFFF000  }
0x2d: {  	v3 =	vld [tilespmem:$0x0];
	_ =	sdelay $0x4  }
0x2e: {  	v4 =	vshll.u32 v3, $0x3  }
0x2f: {  	v3 =	vand.u32 $0x7, v3;
	v4 =	vand.u32 $0xFFFFFFC0, v4  }
0x30: {  	v3 =	vor.u32 v3, v4  }
0x31: {  	v4 =	vperm.xlane v3, v0;
	v3 =	vperm.xlane v3, v2;
	_ =	sdelay $0x1  }
0x32: {  	v4 =	vadd.s32 v1, v4;
	_ =	sdelay $0x4  }
0x33: {  	[tilespmem:s6], [sflag:$0x1] =	stream.indirect_vreg.gather [hbm4b:s1+s3], $0x80, v4, vm0, $0xb8;
	[tilespmem:$0x5000] =	vst v63  }
0x34: {  	_ = 	snop  }
0x35: {  	[tilespmem:s8], [sflag:$0x1] =	stream.indirect_vreg.gather [hbm4b:s7+s3], $0x80, v4, vm0, $0xb8;
	[tilespmem:$0x5000] =	vst v63  }
0x36: {  	v3 =	vadd.s32 v1, v3  }
0x37: {  	[tilespmem:s10], [sflag:$0x1] =	stream.indirect_vreg.gather [hbm4b:s9+s3], $0x80, v4, vm0, $0xb8;
	[tilespmem:$0x5000] =	vst v63  }
0x38: {  	_ = 	snop  }
0x39: {  	[tilespmem:s12], [sflag:$0x1] =	stream.indirect_vreg.gather [hbm4b:s11+s3], $0x80, v4, vm0, $0xb8;
	[tilespmem:$0x5000] =	vst v63  }
0x3a: {  	_ = 	snop  }
0x3b: {  	[tilespmem:s13], [sflag:$0x1] =	stream.indirect_vreg.gather [hbm4b:s1+s3], $0x80, v3, vm0, $0xb8;
	[tilespmem:$0x5000] =	vst v63  }
0x3c: {  	_ = 	snop  }
0x3d: {  	[tilespmem:s14], [sflag:$0x1] =	stream.indirect_vreg.gather [hbm4b:s7+s3], $0x80, v3, vm0, $0xb8;
	[tilespmem:$0x5000] =	vst v63  }
0x3e: {  	_ = 	snop  }
0x3f: {  	[tilespmem:s15], [sflag:$0x1] =	stream.indirect_vreg.gather [hbm4b:s9+s3], $0x80, v3, vm0, $0xb8;
	[tilespmem:$0x5000] =	vst v63  }
0x40: {  	_ = 	snop  }
0x41: {  	[tilespmem:s16], [sflag:$0x1] =	stream.indirect_vreg.gather [hbm4b:s11+s3], $0x80, v3, vm0, $0xb8;
	[tilespmem:$0x5000] =	vst v63  }
0x42: {  	_ =	swait.ge [sflag:s17], $0x4000  }
.Ltmp1:
0x43: {  	[sflag:s17] =	ssyncset.done $0x0;
	(pc) =	sbr.rel @p0 .LBB2_1-.Ltmp1, $4  }
0x44: {  	[sflag:s17] =	ssyncadd.s32 $0xFFFFC000  }
0x45: {  	[hbm4b:s18+s3] =	stream.linear.scatter [tilespmem:s6], [sflag:$0x2], $0x4000, $0x38;
	[tilespmem:$0x5000] =	vst v63  }
0x46: {  	_ =	swait.ge [sflag:s19], $0x4000  }
0x47: {  	[sflag:s19] =	ssyncset.done $0x0  }
.LBB2_2:
0x48: {  	[sflag:s19] =	ssyncadd.s32 $0xFFFFC000  }
0x49: {  	_ =	sfence.sel $0x180000  }
0x4a: {  	[bflag:$0x0] =	sbarrier.arrive $0xFFFF  }
0x4b: {  	p0 =	sne.s32 s0, $0x0;
	_ =	strace $0x90000047  }
0x4c: {  	s0 =	sadd.s32 @!p0 $0x100000, s2;
	[bflag:$0x2] =	sbarrier.arrive $0xFFFF  }
0x4d: {  	[sflag:s0] =	ssyncadd.tile.s32 @!p0 $0x1;
	_ =	shalt  }
.Lfunc_end2:
_tile_overlayer_lowered:
.L_overlay_start_2:
0x4e: {  	(tag) =	ssettag $0x2  }
0x4f: {  	s0 =	rddreg [dreg:$0x0];
	s2 =	stileid.u32  }
0x50: {  	s1 =	rddreg [dreg:$0x1];
	p0 =	sne.s32 s2, $0x0  }
0x51: {  	s3 =	rddreg [dreg:$0x2];
	[bflag:$0x3] =	sbarrier.arrive $0xFFFF;
	s2 =	simm.s32 @!p0 $0x1C03  }
0x52: {  	[timem:s3], [sflag:s2] =	dma.local @!p0 [hbm:s0], s1  }
0x53: {  	s0 =	simm.s32 @!p0 $0x3  }
0x54: {  	_ =	swait.ge @!p0 [sflag:s0], s1  }
0x55: {  	s1 =	ssub.s32 @!p0 $0x0, s1;
	[sflag:s0] =	ssyncset.done @!p0 $0x0  }
0x56: {  	[sflag:s0] =	ssyncadd.s32 @!p0 s1  }
0x57: {  	[bflag:$0x3] =	sbarrier.arrive $0xFFFF  }
0x58: {  	_ =	shalt  }

</sc_bundles>
